<compile_context>
chip_gen: v7x
topology: tpu7x:2x2x1
jax: 0.10.2.dev20260603
libtpu: 0.0.44.dev20260713+nightly
codegen_flags: <defaults>
</compile_context>

<pallas_src>
import functools

import jax
import jax.numpy as jnp
from jax import lax
from jax.experimental import pallas as pl
from jax.experimental.pallas import tpu as pltpu
from jax.experimental.pallas import tpu_sc as plsc

NC = 1
NS = 16
NW = NC * NS
L = 16


def _gather16(table, idx):
    dnums = lax.GatherDimensionNumbers(
        offset_dims=(), collapsed_slice_dims=(0,), start_index_map=(0,))
    return lax.gather(table, idx[:, None], dnums, (1,),
                      mode=lax.GatherScatterMode.PROMISE_IN_BOUNDS)


def _scale_shift_body(n, energy_hbm, types_hbm, scales_hbm, shifts_hbm,
                      out_hbm, energy_v, types_v, out_v, scales_v, shifts_v,
                      sem_e, sem_t, sem_tab):
    wid = lax.axis_index("s") * NC + lax.axis_index("c")
    chunk = energy_v.shape[0]
    base = lax.min(wid * chunk, n - chunk)
    cp_e = pltpu.async_copy(energy_hbm.at[pl.ds(base, chunk)], energy_v, sem_e)
    cp_t = pltpu.async_copy(types_hbm.at[pl.ds(base, chunk)], types_v, sem_t)
    cp_s = pltpu.async_copy(scales_hbm, scales_v, sem_tab)
    cp_b = pltpu.async_copy(shifts_hbm, shifts_v, sem_tab)
    cp_s.wait()
    cp_b.wait()
    sv = scales_v[...]
    bv = shifts_v[...]
    cp_e.wait()
    cp_t.wait()

    @plsc.parallel_loop(0, chunk, L, unroll=4)
    def _(i):
        t = types_v[pl.ds(i, L)]
        s = _gather16(sv, t)
        b = _gather16(bv, t)
        e = energy_v[pl.ds(i, L)]
        out_v[pl.ds(i, L)] = s * e + b

    pltpu.sync_copy(out_v, out_hbm.at[pl.ds(base, chunk)])


@functools.lru_cache(maxsize=None)
def _build(n):
    chunk = -(-n // (NW * L)) * L
    mesh = plsc.VectorSubcoreMesh(
        core_axis_name="c", subcore_axis_name="s",
        num_cores=NC, num_subcores=NS)
    return pl.kernel(
        functools.partial(_scale_shift_body, n),
        out_type=jax.ShapeDtypeStruct((n,), jnp.float32),
        mesh=mesh,
        scratch_types=[
            pltpu.VMEM((chunk,), jnp.float32),
            pltpu.VMEM((chunk,), jnp.int32),
            pltpu.VMEM((chunk,), jnp.float32),
            pltpu.VMEM((L,), jnp.float32),
            pltpu.VMEM((L,), jnp.float32),
            pltpu.SemaphoreType.DMA,
            pltpu.SemaphoreType.DMA,
            pltpu.SemaphoreType.DMA,
        ],
    )


def kernel(atomic_energy, atom_types, scales, shifts):
    n = atomic_energy.shape[0]
    e = atomic_energy.reshape(-1)
    t = atom_types.astype(jnp.int32)
    out = _build(n)(e, t, scales, shifts)
    return out.reshape(n, 1)

# --- scband reference (transcript-rebuilt; emitter-appended) ---
"""Pipeline reference for scband-per-species-scale-shift-37194416783642 (READ-ONLY COPY).

The authoritative reference and input builder live on the scoring server;
editing this copy changes nothing except your own understanding.
"""

import jax, jax.numpy as jnp
import numpy as np


def setup_inputs(seed: int = 0) -> dict:
    key = jax.random.key(seed)
    k1, k2 = jax.random.split(key)
    N = 100000
    T = 16
    atomic_energy = jax.random.normal(k1, (N, 1), dtype=jnp.float32)
    atom_types = jax.random.randint(k2, (N,), 0, T, dtype=jnp.int64) if jax.config.jax_enable_x64 else jax.random.randint(k2, (N,), 0, T, dtype=jnp.int32)
    # learned per-species parameters: shifts=[0.1] and scales=[1.5] broadcast to num_types
    scales = jnp.full((T,), 1.5, dtype=jnp.float32)
    shifts = jnp.full((T,), 0.1, dtype=jnp.float32)
    return {"atomic_energy": atomic_energy, "atom_types": atom_types, "scales": scales, "shifts": shifts}


def reference(atomic_energy, atom_types, scales, shifts):
    # PerSpeciesScaleShift.forward:
    #   in_field = scales[species_idx].view(-1,1) * in_field
    #   in_field = shifts[species_idx].view(-1,1) + in_field
    s = jnp.take(scales, atom_types, axis=0).reshape(-1, 1)
    out = s * atomic_energy
    b = jnp.take(shifts, atom_types, axis=0).reshape(-1, 1)
    out = b + out
    return out

if __name__ == "__main__":
    import jax
    _d = setup_inputs()
    print(jax.jit(kernel)(*tuple(_d.values())))

</pallas_src>

<mosaic_0001>
#map = affine_map<(d0, d1) -> (0)>
module attributes {stable_mosaic.version = 14 : i64} {
  func.func @_scale_shift_body(%arg0: i32, %arg1: i32, %arg2: memref<100000xf32, #tpu.memory_space<hbm>>, %arg3: memref<100000xi32, #tpu.memory_space<hbm>>, %arg4: memref<16xf32, #tpu.memory_space<hbm>>, %arg5: memref<16xf32, #tpu.memory_space<hbm>>, %arg6: memref<100000xf32, #tpu.memory_space<hbm>>, %arg7: memref<6256xf32, #tpu.memory_space<vmem>>, %arg8: memref<6256xi32, #tpu.memory_space<vmem>>, %arg9: memref<6256xf32, #tpu.memory_space<vmem>>, %arg10: memref<16xf32, #tpu.memory_space<vmem>>, %arg11: memref<16xf32, #tpu.memory_space<vmem>>, %arg12: memref<!tpu.dma_semaphore, #tpu.memory_space<semaphore_mem>>, %arg13: memref<!tpu.dma_semaphore, #tpu.memory_space<semaphore_mem>>, %arg14: memref<!tpu.dma_semaphore, #tpu.memory_space<semaphore_mem>>) attributes {dimension_semantics = [#tpu.dimension_semantics<core_parallel>, #tpu.dimension_semantics<subcore_parallel>], iteration_bounds = array<i64: 1, 16>, scalar_prefetch = 0 : i64, scratch_operands = 8 : i64, tpu.core_type = #tpu.core_type<sc_vector_subcore>, window_params = [{transform_indices = #map}, {transform_indices = #map}, {transform_indices = #map}, {transform_indices = #map}, {transform_indices = #map}]} {
    %mul3A = arith.constant 1 : i32
    %mul3A_0 = arith.muli %arg1, %mul3A : i32
    %add3A = arith.addi %mul3A_0, %arg0 : i32
    %mul3A_1 = arith.constant 6256 : i32
    %mul3A_2 = arith.muli %add3A, %mul3A_1 : i32
    %min3A = arith.constant 93744 : i32
    %min3A_3 = arith.minsi %mul3A_2, %min3A : i32
    %dma_start3A = tpu.memref_slice %arg2[%min3A_3] : memref<100000xf32, #tpu.memory_space<hbm>> -> memref<6256xf32, #tpu.memory_space<hbm>>
    %dma_start3A_4 = tpu.memref_slice %arg2[%min3A_3] : memref<100000xf32, #tpu.memory_space<hbm>> -> memref<6256xf32, #tpu.memory_space<hbm>>
    tpu.enqueue_dma source(%dma_start3A_4 : memref<6256xf32, #tpu.memory_space<hbm>>) target(%arg7 : memref<6256xf32, #tpu.memory_space<vmem>>) target_semaphore(%arg12 : memref<!tpu.dma_semaphore, #tpu.memory_space<semaphore_mem>>)
    %dma_start3A_5 = tpu.memref_slice %arg3[%min3A_3] : memref<100000xi32, #tpu.memory_space<hbm>> -> memref<6256xi32, #tpu.memory_space<hbm>>
    %dma_start3A_6 = tpu.memref_slice %arg3[%min3A_3] : memref<100000xi32, #tpu.memory_space<hbm>> -> memref<6256xi32, #tpu.memory_space<hbm>>
    tpu.enqueue_dma source(%dma_start3A_6 : memref<6256xi32, #tpu.memory_space<hbm>>) target(%arg8 : memref<6256xi32, #tpu.memory_space<vmem>>) target_semaphore(%arg13 : memref<!tpu.dma_semaphore, #tpu.memory_space<semaphore_mem>>)
    tpu.enqueue_dma source(%arg4 : memref<16xf32, #tpu.memory_space<hbm>>) target(%arg10 : memref<16xf32, #tpu.memory_space<vmem>>) target_semaphore(%arg14 : memref<!tpu.dma_semaphore, #tpu.memory_space<semaphore_mem>>)
    tpu.enqueue_dma source(%arg5 : memref<16xf32, #tpu.memory_space<hbm>>) target(%arg11 : memref<16xf32, #tpu.memory_space<vmem>>) target_semaphore(%arg14 : memref<!tpu.dma_semaphore, #tpu.memory_space<semaphore_mem>>)
    tpu.wait_dma2 semaphore(%arg14 : memref<!tpu.dma_semaphore, #tpu.memory_space<semaphore_mem>>) src(%arg4 : memref<16xf32, #tpu.memory_space<hbm>>) dst(%arg10 : memref<16xf32, #tpu.memory_space<vmem>>)
    tpu.wait_dma2 semaphore(%arg14 : memref<!tpu.dma_semaphore, #tpu.memory_space<semaphore_mem>>) src(%arg5 : memref<16xf32, #tpu.memory_space<hbm>>) dst(%arg11 : memref<16xf32, #tpu.memory_space<vmem>>)
    %get3A = arith.constant 0 : index
    %get3A_7 = tpu.vector_load %arg10[%get3A] {strides = array<i32>} : memref<16xf32, #tpu.memory_space<vmem>>, vector<16xf32>,
    %get3A_8 = vector.shape_cast %get3A_7 : vector<16xf32> to vector<16xf32>
    %get3A_9 = arith.constant 0 : index
    %get3A_10 = tpu.vector_load %arg11[%get3A_9] {strides = array<i32>} : memref<16xf32, #tpu.memory_space<vmem>>, vector<16xf32>,
    %get3A_11 = vector.shape_cast %get3A_10 : vector<16xf32> to vector<16xf32>
    %dma_wait3A = tpu.memref_slice %arg2[%min3A_3] : memref<100000xf32, #tpu.memory_space<hbm>> -> memref<6256xf32, #tpu.memory_space<hbm>>
    %dma_wait3A_12 = tpu.memref_slice %arg2[%min3A_3] : memref<100000xf32, #tpu.memory_space<hbm>> -> memref<6256xf32, #tpu.memory_space<hbm>>
    tpu.wait_dma2 semaphore(%arg12 : memref<!tpu.dma_semaphore, #tpu.memory_space<semaphore_mem>>) src(%dma_wait3A_12 : memref<6256xf32, #tpu.memory_space<hbm>>) dst(%arg7 : memref<6256xf32, #tpu.memory_space<vmem>>)
    %dma_wait3A_13 = tpu.memref_slice %arg3[%min3A_3] : memref<100000xi32, #tpu.memory_space<hbm>> -> memref<6256xi32, #tpu.memory_space<hbm>>
    %dma_wait3A_14 = tpu.memref_slice %arg3[%min3A_3] : memref<100000xi32, #tpu.memory_space<hbm>> -> memref<6256xi32, #tpu.memory_space<hbm>>
    tpu.wait_dma2 semaphore(%arg13 : memref<!tpu.dma_semaphore, #tpu.memory_space<semaphore_mem>>) src(%dma_wait3A_14 : memref<6256xi32, #tpu.memory_space<hbm>>) dst(%arg8 : memref<6256xi32, #tpu.memory_space<vmem>>)
    %parallel_loop3A = arith.constant 0 : i32
    %parallel_loop3A_15 = arith.constant 6256 : i32
    %parallel_loop3A_16 = arith.constant 16 : i32
    scf.for %parallel_loop3A_17 = %parallel_loop3A to %parallel_loop3A_15 step %parallel_loop3A_16  : i32 {
      %parallel_loop3A_18 = arith.index_cast %parallel_loop3A_17 : i32 to index
      %parallel_loop3A_19 = tpu.vector_load %arg8[%parallel_loop3A_18] {strides = array<i32>} : memref<6256xi32, #tpu.memory_space<vmem>>, vector<16xi32>,
      %parallel_loop3A_20 = vector.shape_cast %parallel_loop3A_19 : vector<16xi32> to vector<16xi32>
      %parallel_loop3A_21 = vector.shape_cast %parallel_loop3A_20 : vector<16xi32> to vector<16x1xi32>
      %parallel_loop3A_22 = vector.shape_cast %parallel_loop3A_21 : vector<16x1xi32> to vector<16xi32>
      %parallel_loop3A_23 = tpu.dynamic_gather %get3A_8[%parallel_loop3A_22] in [0] : vector<16xf32>, vector<16xi32> -> vector<16xf32>
      %parallel_loop3A_24 = vector.shape_cast %parallel_loop3A_20 : vector<16xi32> to vector<16x1xi32>
      %parallel_loop3A_25 = vector.shape_cast %parallel_loop3A_24 : vector<16x1xi32> to vector<16xi32>
      %parallel_loop3A_26 = tpu.dynamic_gather %get3A_11[%parallel_loop3A_25] in [0] : vector<16xf32>, vector<16xi32> -> vector<16xf32>
      %parallel_loop3A_27 = arith.index_cast %parallel_loop3A_17 : i32 to index
      %parallel_loop3A_28 = tpu.vector_load %arg7[%parallel_loop3A_27] {strides = array<i32>} : memref<6256xf32, #tpu.memory_space<vmem>>, vector<16xf32>,
      %parallel_loop3A_29 = vector.shape_cast %parallel_loop3A_28 : vector<16xf32> to vector<16xf32>
      %parallel_loop3A_30 = arith.mulf %parallel_loop3A_23, %parallel_loop3A_29 : vector<16xf32>
      %parallel_loop3A_31 = arith.addf %parallel_loop3A_30, %parallel_loop3A_26 : vector<16xf32>
      %parallel_loop3A_32 = arith.index_cast %parallel_loop3A_17 : i32 to index
      %parallel_loop3A_33 = tpu.vector_load %arg9[%parallel_loop3A_32] {strides = array<i32>} : memref<6256xf32, #tpu.memory_space<vmem>>, vector<16xf32>,
      %parallel_loop3A_34 = vector.shape_cast %parallel_loop3A_33 : vector<16xf32> to vector<16xf32>
      %parallel_loop3A_35 = vector.shape_cast %parallel_loop3A_31 : vector<16xf32> to vector<16xf32>
      tpu.vector_store %arg9[%parallel_loop3A_32], %parallel_loop3A_35 {strides = array<i32>} : memref<6256xf32, #tpu.memory_space<vmem>>, vector<16xf32>,
    } {sc.loop_unroll_factor = 4 : i64, sc.parallel_access}
    "tpu.region"() ({
      %run_scoped3A = tpu.sem_alloc : memref<!tpu.dma_semaphore, #tpu.memory_space<semaphore_mem>>
      %dma_start3A_17 = tpu.memref_slice %arg6[%min3A_3] : memref<100000xf32, #tpu.memory_space<hbm>> -> memref<6256xf32, #tpu.memory_space<hbm>>
      %dma_start3A_18 = tpu.memref_slice %arg6[%min3A_3] : memref<100000xf32, #tpu.memory_space<hbm>> -> memref<6256xf32, #tpu.memory_space<hbm>>
      tpu.enqueue_dma source(%arg9 : memref<6256xf32, #tpu.memory_space<vmem>>) target(%dma_start3A_18 : memref<6256xf32, #tpu.memory_space<hbm>>) target_semaphore(%run_scoped3A : memref<!tpu.dma_semaphore, #tpu.memory_space<semaphore_mem>>)
      %dma_wait3A_19 = tpu.memref_slice %arg6[%min3A_3] : memref<100000xf32, #tpu.memory_space<hbm>> -> memref<6256xf32, #tpu.memory_space<hbm>>
      %dma_wait3A_20 = tpu.memref_slice %arg6[%min3A_3] : memref<100000xf32, #tpu.memory_space<hbm>> -> memref<6256xf32, #tpu.memory_space<hbm>>
      tpu.wait_dma2 semaphore(%run_scoped3A : memref<!tpu.dma_semaphore, #tpu.memory_space<semaphore_mem>>) src(%arg9 : memref<6256xf32, #tpu.memory_space<vmem>>) dst(%dma_wait3A_20 : memref<6256xf32, #tpu.memory_space<hbm>>)
      tpu.yield
    }) : () -> ()
    return
  }
}

</mosaic_0001>

<sc_bundles>
// kernel: kernel.3.cloned.1.call-start
scs
__scs_entry_jumppad:
0x0: {  	(pc) =	sbr.rel $0x88, $3  }
0x1: {  	(tag) =	ssettag $0x0;
	lr =	simm.s32 $0x1  }
0x2: {  	[smem:$0x3F9D] =	sst lr;
	_ =	strace $0xD0000000  }
0x3: {  	_ = 	snop  }
0x4: {  	_ = 	snop  }
0x5: {  	_ = 	snop  }
0x6: {  	_ = 	snop  }
0x7: {  	_ = 	snop  }
__scs_overlays_trampoline_lowered:
0x8: {  	[smem:$0x3FAC] =	sst s0  }
0x9: {  	[smem:$0x3FAD] =	sst s1  }
0xa: {  	[smem:$0x3FAE] =	sst s2  }
0xb: {  	[smem:$0x3FAF] =	sst s3  }
0xc: {  	[smem:$0x3FB0] =	sst s4  }
0xd: {  	[smem:$0x3FB1] =	sst s5  }
0xe: {  	[smem:$0x3FB2] =	sst s6  }
0xf: {  	[smem:$0x3FB3] =	sst s7  }
0x10: {  	[smem:$0x3FB4] =	sst s8  }
0x11: {  	[smem:$0x3FB5] =	sst s9;
	s0 =	simm.s32 @!p0 $0x0  }
0x12: {  	s1 =	sld [smem:$0x3F9B];
	s0 =	simm.s32 @p0 $0x1  }
0x13: {  	[smem:$0x3FB6] =	sst s0;
	s0 =	simm.s32 @!p1 $0x0  }
0x14: {  	s2 =	sld [smem:$0x3F9A];
	s0 =	simm.s32 @p1 $0x1  }
0x15: {  	[smem:$0x3FB7] =	sst s0;
	s0 =	simm.s32 @!p2 $0x0  }
0x16: {  	s3 =	sld [smem:$0x3FDB];
	s0 =	simm.s32 @p2 $0x1  }
0x17: {  	s4 =	simm.s32 $0x1BF5;
	[smem:$0x3FB9] =	sst s0  }
0x18: {  	s0 =	sld [smem:$0x3F9C];
	_ =	swait.ge [sflag:s4], $0x0  }
0x19: {  	s7 =	sld [smem:$0x3F9D]  }
0x1a: {  	s8 =	sadd.s32 $0xFFFFE003, lr  }
0x1b: {  	s9 =	sadd.s32 $0xFFFFFEF7, lr;
	s5 =	simm.s32 $0xFFFFFFFF;
	p2 =	slt.u32 s8, $0xFFFFF086  }
0x1c: {  	p1 =	slt.u32 s9, $0xF7A;
	s5 =	simm.s32 @!p2 $0x0  }
0x1d: {  	s5 =	simm.s32 @p1 $0x1;
	p0 =	seq.s32 s7, s2  }
0x1e: {  	s7 =	smul.u32 @!p0 $0xF7A, s2;
	p2 =	seq.s32 @!p0 s5, $0x0  }
0x1f: {  	s9 =	smul.u32 $0xF7A, s1;
	s8 =	simm.s32 @!p0 $0x1BF5;
	p2 =	por !p2, p0  }
0x20: {  	[sflag:s8] =	ssyncset.s32 @!p0 $0xFFFFF086;
	s6 =	sadd.s32 @!p0 s3, s7;
	s7 =	simm.s32 @!p0 $0x108  }
0x21: {  	s3 =	sadd.s32 s3, s9;
	s6 =	sadd.s32 @!p0 $0x88, s6;
	s7 =	simm.s32 @p2 $0x1082  }
0x22: {  	[simem:s7], [sflag:s8] =	dma.local @!p0 [hbm:s6], $0xF7A  }
0x23: {  	s9 =	sor.u32 $0xD0000000, s2;
	s6 =	simm.s32 $0x108;
	_ =	swait.ge @!p0 [sflag:s8], $0x0  }
0x24: {  	s3 =	sadd.s32 $0x88, s3;
	s6 =	simm.s32 @!p1 $0x1082;
	[sflag:s4] =	ssyncset.s32 $0xFFFFF086  }
0x25: {  	[simem:s6], [sflag:s4] =	dma.local [hbm:s3], $0xF7A  }
0x26: {  	[smem:$0x3F9D] =	sst s1;
	(tag) =	ssettag s2;
	_ =	strace s9  }
0x27: {  	s1 =	sld [smem:$0x3FAD]  }
0x28: {  	s2 =	sld [smem:$0x3FAE]  }
0x29: {  	s4 =	sld [smem:$0x3FB0]  }
0x2a: {  	p0 =	seq.s32 s5, $0x0;
	s5 =	sld [smem:$0x3FB1]  }
0x2b: {  	s6 =	sld [smem:$0x3FB2]  }
0x2c: {  	s7 =	sld [smem:$0x3FB3]  }
0x2d: {  	s3 =	simm.s32 $0x108;
	s8 =	sld [smem:$0x3FB4]  }
0x2e: {  	s3 =	simm.s32 @!p0 $0x1082;
	s9 =	sld [smem:$0x3FB5]  }
0x2f: {  	lr =	sadd.s32 s0, s3;
	s0 =	sld [smem:$0x3FAC]  }
0x30: {  	s3 =	sld [smem:$0x3FAF]  }
0x31: {  	[smem:$0x3FB8] =	sst s10  }
0x32: {  	s10 =	sld [smem:$0x3FB6];
	_ =	sdelay $0x3  }
0x33: {  	p0 =	seq.s32 s10, $0x1;
	s10 =	sld [smem:$0x3FB8];
	_ =	sdelay $0x3  }
0x34: {  	[smem:$0x3FB8] =	sst s10  }
0x35: {  	s10 =	sld [smem:$0x3FB7];
	_ =	sdelay $0x3  }
0x36: {  	p1 =	seq.s32 s10, $0x1;
	s10 =	sld [smem:$0x3FB8];
	_ =	sdelay $0x3  }
0x37: {  	[smem:$0x3FB8] =	sst s10  }
0x38: {  	s10 =	sld [smem:$0x3FB9]  }
0x39: {  	_ = 	snop;
	(pc) =	sbr.ind lr, $3  }
0x3a: {  	_ = 	snop  }
0x3b: {  	_ = 	snop  }
0x3c: {  	p2 =	seq.s32 s10, $0x1;
	s10 =	sld [smem:$0x3FB8]  }
0x3d: {  	_ =	shalt  }
0x3e: {  	_ =	shalt  }
0x3f: {  	_ =	shalt  }
0x40: {  	_ =	shalt  }
0x41: {  	_ =	shalt  }
0x42: {  	_ =	shalt  }
0x43: {  	_ =	shalt  }
0x44: {  	_ =	shalt  }
0x45: {  	_ =	shalt  }
0x46: {  	_ =	shalt  }
0x47: {  	_ =	shalt  }
0x48: {  	_ =	shalt  }
0x49: {  	_ =	shalt  }
0x4a: {  	_ =	shalt  }
0x4b: {  	_ =	shalt  }
0x4c: {  	_ =	shalt  }
0x4d: {  	_ =	shalt  }
0x4e: {  	_ =	shalt  }
0x4f: {  	_ =	shalt  }
0x50: {  	_ =	shalt  }
0x51: {  	_ =	shalt  }
0x52: {  	_ =	shalt  }
0x53: {  	_ =	shalt  }
0x54: {  	_ =	shalt  }
0x55: {  	_ =	shalt  }
0x56: {  	_ =	shalt  }
0x57: {  	_ =	shalt  }
0x58: {  	_ =	shalt  }
0x59: {  	_ =	shalt  }
0x5a: {  	_ =	shalt  }
0x5b: {  	_ =	shalt  }
0x5c: {  	_ =	shalt  }
0x5d: {  	_ =	shalt  }
0x5e: {  	_ =	shalt  }
0x5f: {  	_ =	shalt  }
0x60: {  	_ =	shalt  }
0x61: {  	_ =	shalt  }
0x62: {  	_ =	shalt  }
0x63: {  	_ =	shalt  }
0x64: {  	_ =	shalt  }
0x65: {  	_ =	shalt  }
0x66: {  	_ =	shalt  }
0x67: {  	_ =	shalt  }
0x68: {  	_ =	shalt  }
0x69: {  	_ =	shalt  }
0x6a: {  	_ =	shalt  }
0x6b: {  	_ =	shalt  }
0x6c: {  	_ =	shalt  }
0x6d: {  	_ =	shalt  }
0x6e: {  	_ =	shalt  }
0x6f: {  	_ =	shalt  }
0x70: {  	_ =	shalt  }
0x71: {  	_ =	shalt  }
0x72: {  	_ =	shalt  }
0x73: {  	_ =	shalt  }
0x74: {  	_ =	shalt  }
0x75: {  	_ =	shalt  }
0x76: {  	_ =	shalt  }
0x77: {  	_ =	shalt  }
0x78: {  	_ =	shalt  }
0x79: {  	_ =	shalt  }
0x7a: {  	_ =	shalt  }
0x7b: {  	_ =	shalt  }
0x7c: {  	_ =	shalt  }
0x7d: {  	_ =	shalt  }
0x7e: {  	_ =	shalt  }
0x7f: {  	_ =	shalt  }
0x80: {  	_ =	shalt  }
0x81: {  	_ =	shalt  }
0x82: {  	_ =	shalt  }
0x83: {  	_ =	shalt  }
0x84: {  	_ =	shalt  }
0x85: {  	_ =	shalt  }
0x86: {  	_ =	shalt  }
0x87: {  	_ =	shalt  }
.Lfunc_end0:
.L_simem_size_0:
called_computation_lowered:
.L_overlay_start_0:
0x88: {  	s0 =	sld [smem:$0x3FD9]  }
0x89: {  	s1 =	sld [smem:$0x3FFE];
	_ =	sdelay $0x3  }
0x8a: {  	s0 =	sadd.s32 s1, s0  }
0x8b: {  	[smem:$0x3FC4] =	sst s0  }
0x8c: {  	_ = 	snop  }
0x8d: {  	s0 =	sld [smem:$0x3FC8]  }
0x8e: {  	s16 =	sld [smem:$0x3FC7]  }
0x8f: {  	s2 =	sld [smem:$0x3FC6];
	(tm) =	ssettm $0x1  }
0x90: {  	s3 =	sld [smem:$0x3FFB];
	_ =	sdelay $0x3  }
0x91: {  	_ =	strace s3  }
0x92: {  	s3 =	sld [smem:$0x3FFC];
	_ =	sdelay $0x3  }
0x93: {  	_ =	strace s3  }
0x94: {  	s3 =	sld [smem:$0x3FFD];
	_ =	sdelay $0x3  }
0x95: {  	_ =	strace s3  }
0x96: {  	_ =	strace $0x8FFFFFFF  }
0x97: {  	s17 =	sld [smem:$0x3FDB];
	_ =	sdelay $0x1  }
0x98: {  	s4 =	simm.s32 $_scs_section_size  }
0x99: {  	s5 =	simm.s32 $_size__tile_overlayer_lowered;
	s6 =	simm.s32 $_tile_overlayer_lowered  }
0x9a: {  	s20 =	simm.s32 $0x1BFF;
	s19 =	sshll.u32 s6, $0x1;
	s3 =	sadd.s32 s4, s17  }
0x9b: {  	s7 =	simm.s32 $0x0;
	s18 =	sshll.u32 s5, $0x1;
	s5 =	sadd.s32 s19, s3  }
0x9c: {  	[timem:s7], [sflag:s20] =	dma.local [hbm:s5], s18  }
0x9d: {  	_ =	swait.ge [sflag:s20], s18  }
0x9e: {  	s4 =	ssub.s32 $0x0, s18;
	[sflag:s20] =	ssyncset.done $0x0  }
0x9f: {  	[sflag:s20] =	ssyncadd.s32 s4;
	_ =	sdelay $0x1  }
0xa0: {  	s21 =	simm.s32 $0x1B8B  }
0xa1: {  	_ =	swait.ge [sflag:s21], $0x1  }
0xa2: {  	[sflag:s21] =	ssyncset.done $0x0  }
0xa3: {  	s23 =	simm.s32 $0x1B8E;
	s22 =	sld [smem:$0x3FFE];
	[sflag:s21] =	ssyncadd.s32 $0xFFFFFFFF  }
0xa4: {  	s24 =	simm.s32 $execute0_lowered;
	[smem:$0x3FD2] =	sst s23  }
0xa5: {  	s5 =	sshll.u32 s24, $0x1;
	_ =	strace $0x80000046;
	[dreg:$0x1] =	wrdreg $0xFFFFFFFF  }
0xa6: {  	s25 =	simm.s32 $_size_execute0_lowered;
	s3 =	sadd.s32 s3, s5;
	[dreg:$0x0] =	wrdreg $0x0  }
0xa7: {  	s5 =	sshll.u32 s25, $0x1;
	[dreg:$0x2] =	wrdreg s3  }
0xa8: {  	[dreg:$0x3] =	wrdreg s5  }
0xa9: {  	[dreg:$0x4] =	wrdreg $0xC0  }
0xaa: {  	_ =	task [dreg:s7], $0x5FFFF  }
0xab: {  	[dreg:$0x1] =	wrdreg $0xFFFFFFFF  }
0xac: {  	[dreg:$0x0] =	wrdreg $0x60  }
0xad: {  	[dreg:$0x2] =	wrdreg s22  }
0xae: {  	[dreg:$0x3] =	wrdreg s0  }
0xaf: {  	[dreg:$0x4] =	wrdreg s16  }
0xb0: {  	[dreg:$0x5] =	wrdreg s2  }
0xb1: {  	[dreg:$0x6] =	wrdreg $0x9  }
0xb2: {  	_ =	task.clear_ibuf [dreg:s7], $0x7FFFF;
	_ =	strace $0x90000046  }
0xb3: {  	s26 =	simm.s32 $0x9;
	_ =	strace $0x80000048  }
0xb4: {  	_ =	swait.ge [sflag:s26], $0x1  }
0xb5: {  	[sflag:s26] =	ssyncadd.s32 $0xFFFFFFFF  }
0xb6: {  	_ =	strace $0x90000048  }
0xb7: {  	_ =	sfence  }
0xb8: {  	s28 =	sld [smem:$0x0];
	_ =	sdelay $0x1  }
0xb9: {  	s29 =	srdreg.scid  }
0xba: {  	s30 =	sshll.u32 s29, $0xD;
	s31 =	sshrl.u32 s29, $0x2  }
0xbb: {  	s1 =	sand.u32 $0x1, s29;
	s2 =	sand.u32 $0x4000, s30;
	s0 =	sadd.s32 s31, s28  }
0xbc: {  	s1 =	sor.u32 s2, s1;
	s0 =	sshll.u32 s0, $0x11  }
0xbd: {  	s0 =	sor.u32 s0, s1  }
0xbe: {  	s0 =	sadd.s32 $0x8F2B, s0  }
0xbf: {  	[sflag:s0] =	ssyncadd.remote.s32 $0x1  }
0xc0: {  	_ =	sfence.sel $0xFFFF  }
0xc1: {  	[dreg:$0x0] =	wrdreg $0xFFFFFFFF;
	(pc) =	sbr.abs _section_cstart, $3  }
0xc2: {  	[dreg:$0x1] =	wrdreg $0xFFFFFFFF  }
0xc3: {  	_ =	task.clear_ibuf [dreg:s7], $0x2FFFF;
	_ =	strace $0x9FFFFFFF  }
0xc4: {  	(tm) =	ssettm $0x7FFFFFFF  }
0xc5: {  	_ =	shalt  }
tec
execute0_lowered:
.L_overlay_start_1:
0x0: {  	(tag) =	ssettag $0x1  }
0x1: {  	s3 =	rddreg [dreg:$0x0];
	s0 =	stileid.u32  }
0x2: {  	s4 =	rddreg [dreg:$0x1];
	s2 =	smul.u32 $0x1870, s0  }
0x3: {  	s5 =	rddreg [dreg:$0x2]  }
0x4: {  	s6 =	rddreg [dreg:$0x3];
	s7 =	simm.s32 $0x0;
	s2 =	smin.u32 s2, $0x16E30  }
0x5: {  	[smem:$0x7FF] =	sst s7;
	s2 =	sshrl.u32 s2, $0x3  }
0x6: {  	s1 =	rddreg [dreg:$0x4];
	_ =	strace $0x80000047;
	s8 =	sadd.s32 s3, s2  }
0x7: {  	[tilespmem:s7], [sflag:$0x1] =	stream.linear.gather [hbm4b:s8+s7], $0x1870, $0x38;
	[tilespmem:$0x4A80] =	vst v63  }
0x8: {  	s22 =	simm.s32 $0x1880;
	s4 =	sadd.s32 s4, s2  }
0x9: {  	[tilespmem:s22], [sflag:$0x2] =	stream.linear.gather [hbm4b:s4+s7], $0x1870, $0x38;
	[tilespmem:$0x4A80] =	vst v63  }
0xa: {  	s23 =	simm.s32 $0x4980  }
0xb: {  	[tilespmem:s23], [sflag:$0x3] =	stream.linear.gather [hbm4b:s5+s7], $0x80, $0x38;
	[tilespmem:$0x4A80] =	vst v63  }
0xc: {  	s24 =	simm.s32 $0x4A00;
	s25 =	simm.s32 $0x3  }
0xd: {  	[tilespmem:s24], [sflag:$0x3] =	stream.linear.gather [hbm4b:s6+s7], $0x80, $0x38;
	[tilespmem:$0x4A80] =	vst v63  }
0xe: {  	_ =	swait.ge [sflag:s25], $0x80  }
0xf: {  	[sflag:s25] =	ssyncset.done $0x0  }
0x10: {  	[sflag:s25] =	ssyncadd.s32 $0xFFFFFF80  }
0x11: {  	_ =	swait.ge [sflag:s25], $0x80  }
0x12: {  	[sflag:s25] =	ssyncset.done $0x0  }
0x13: {  	[sflag:s25] =	ssyncadd.s32 $0xFFFFFF80  }
0x14: {  	s26 =	simm.s32 $0x1;
	v0 =	vld [tilespmem:$0x4980]  }
0x15: {  	v1 =	vld [tilespmem:$0x4A00];
	_ =	swait.ge [sflag:s26], $0x1870  }
0x16: {  	[sflag:s26] =	ssyncset.done $0x0  }
0x17: {  	s28 =	simm.s32 $0x2;
	[sflag:s26] =	ssyncadd.s32 $0xFFFFE790  }
0x18: {  	_ =	swait.ge [sflag:s28], $0x1870  }
0x19: {  	[sflag:s28] =	ssyncset.done $0x0  }
0x1a: {  	s29 =	simm.s32 $0x18A0;
	[sflag:s28] =	ssyncadd.s32 $0xFFFFE790  }
0x1b: {  	v2 =	vld [tilespmem:s29+$0x10]  }
0x1c: {  	v3 =	vld [tilespmem:s29+$0xFFFFFFF0]  }
0x1d: {  	v6 =	vld [tilespmem:s29+$0xFFFFFFE0]  }
0x1e: {  	s30 =	simm.s32 $0x20;
	v4 =	vld [tilespmem:s29+$0x0]  }
0x1f: {  	v5 =	vld [tilespmem:s30+$0x10]  }
0x20: {  	v7 =	vld [tilespmem:s30+$0xFFFFFFE0]  }
0x21: {  	v8 =	vld [tilespmem:s30+$0xFFFFFFF0];
	v2 =	vand.u32 $0xF, v2  }
0x22: {  	s31 =	simm.s32 $0x18E0;
	v10 =	vld [tilespmem:s30+$0x0];
	v3 =	vand.u32 $0xF, v3;
	v6 =	vand.u32 $0xF, v6;
	v9 =	vperm.xlane v0, v2  }
0x23: {  	v11 =	vperm.xlane v0, v3;
	v12 =	vperm.xlane v1, v3;
	v3 =	vand.u32 $0xF, v4;
	v4 =	vld [tilespmem:s31+$0x10]  }
0x24: {  	v14 =	vld [tilespmem:s31+$0xFFFFFFF0];
	v13 =	vperm.xlane v1, v2;
	v17 =	vperm.xlane v0, v6  }
0x25: {  	s5 =	simm.s32 $0x60;
	v16 =	vld [tilespmem:s31+$0x0];
	v18 =	vperm.xlane v1, v6;
	v9 =	vmul.f32 v5, v9  }
0x26: {  	v15 =	vperm.xlane v0, v3;
	v8 =	vmul.f32 v8, v11;
	v5 =	vld [tilespmem:s5+$0x10]  }
0x27: {  	v6 =	vld [tilespmem:s31+$0xFFFFFFE0];
	v2 =	vperm.xlane v1, v3;
	v17 =	vmul.f32 v7, v17;
	v13 =	vadd.f32 v9, v13  }
0x28: {  	s4 =	simm.s32 $0x3120;
	v3 =	vld [tilespmem:s5+$0xFFFFFFE0];
	v9 =	vmul.f32 v10, v15;
	v15 =	vadd.f32 v8, v12;
	v11 =	vand.u32 $0xF, v4  }
0x29: {  	v7 =	vld [tilespmem:s5+$0xFFFFFFF0];
	v4 =	vand.u32 $0xF, v14;
	[tilespmem:s4+$0x10] =	vst v13;
	v14 =	vperm.xlane v0, v11;
	v13 =	vadd.f32 v17, v18  }
0x2a: {  	s3 =	sadd.s32 $0x3200, s3;
	s6 =	simm.s32 $0x40;
	s7 =	simm.s32 $0x1920;
	v12 =	vand.u32 $0xF, v16;
	v8 =	vld [tilespmem:s5+$0x0];
	v10 =	vperm.xlane v0, v4;
	v4 =	vperm.xlane v1, v4;
	[tilespmem:s4+$0xFFFFFFF0] =	vst v15  }
.LBB2_1:
0x2b: {  	v15 =	vld [tilespmem:s7+$0x10];
	s6 =	sadd.s32 $0x40, s6;
	v11 =	vperm.xlane v1, v11;
	v5 =	vmul.f32 v5, v14;
	[tilespmem:s4+$0xFFFFFFE0] =	vst v13;
	v9 =	vadd.f32 v9, v2  }
0x2c: {  	v14 =	vperm.xlane v0, v12;
	v2 =	vperm.xlane v1, v12;
	v13 =	vld [tilespmem:s7+$0xFFFFFFF0];
	p0 =	slt.u32 s6, $0x1800;
	v6 =	vand.u32 $0xF, v6  }
0x2d: {  	s5 =	sadd.s32 $0x40, s5;
	v12 =	vld [tilespmem:s7+$0x0];
	v16 =	vperm.xlane v0, v6;
	v17 =	vperm.xlane v1, v6;
	v11 =	vadd.f32 v5, v11;
	[tilespmem:s4+$0x0] =	vst v9  }
.Ltmp0:
0x2e: {  	s4 =	sadd.s32 $0x40, s4;
	v5 =	vld [tilespmem:s5+$0x10];
	v7 =	vmul.f32 v7, v10;
	(pc) =	sbr.rel @p0 .LBB2_1-.Ltmp0, $4  }
0x2f: {  	v6 =	vld [tilespmem:s7+$0xFFFFFFE0];
	v10 =	vmul.f32 v3, v16;
	v9 =	vmul.f32 v8, v14;
	[tilespmem:s4+$0x10] =	vst v11  }
0x30: {  	v3 =	vld [tilespmem:s5+$0xFFFFFFE0];
	v11 =	vand.u32 $0xF, v15;
	v15 =	vadd.f32 v7, v4  }
0x31: {  	v4 =	vand.u32 $0xF, v13;
	v7 =	vld [tilespmem:s5+$0xFFFFFFF0];
	v14 =	vperm.xlane v0, v11;
	v13 =	vadd.f32 v10, v17  }
0x32: {  	s7 =	sadd.s32 $0x40, s7;
	v10 =	vperm.xlane v0, v4;
	v4 =	vperm.xlane v1, v4;
	v12 =	vand.u32 $0xF, v12;
	v8 =	vld [tilespmem:s5+$0x0];
	[tilespmem:s4+$0xFFFFFFF0] =	vst v15  }
0x33: {  	_ = 	snop  }
0x34: {  	v11 =	vperm.xlane v1, v11;
	v6 =	vand.u32 $0xF, v6  }
0x35: {  	v5 =	vmul.f32 v5, v14;
	v61 =	vperm.xlane v0, v6  }
0x36: {  	v2 =	vadd.f32 v9, v2;
	v62 =	vperm.xlane v0, v12;
	v7 =	vmul.f32 v7, v10  }
0x37: {  	[tilespmem:s4+$0xFFFFFFE0] =	vst v13;
	v6 =	vperm.xlane v1, v6;
	v5 =	vadd.f32 v5, v11;
	v3 =	vmul.f32 v3, v61  }
0x38: {  	v63 =	vperm.xlane v1, v12;
	s5 =	sadd.s32 $0x40, s4;
	[tilespmem:s4+$0x0] =	vst v2;
	v2 =	vmul.f32 v8, v62;
	v4 =	vadd.f32 v7, v4  }
0x39: {  	[tilespmem:s5+$0x10] =	vst v5;
	v3 =	vadd.f32 v3, v6  }
0x3a: {  	v2 =	vadd.f32 v2, v63;
	[tilespmem:s5+$0xFFFFFFF0] =	vst v4  }
0x3b: {  	s6 =	simm.s32 $0x1840;
	[tilespmem:s5+$0xFFFFFFE0] =	vst v3  }
0x3c: {  	s7 =	simm.s32 $0x30C0;
	s4 =	simm.s32 $0x1830;
	[tilespmem:s5+$0x0] =	vst v2;
	s5 =	simm.s32 $0x4940  }
.LBB2_3:
0x3d: {  	v2 =	vld [tilespmem:s7+$0x0];
	_ =	sdelay $0x2  }
0x3e: {  	v3 =	vld [tilespmem:s6+$0x0];
	_ =	sdelay $0x1  }
0x3f: {  	v2 =	vand.u32 $0xF, v2  }
0x40: {  	s4 =	sadd.s32 $0x10, s4;
	v4 =	vperm.xlane v0, v2  }
0x41: {  	p0 =	slt.u32 s4, $0x1860  }
.Ltmp1:
0x42: {  	v2 =	vperm.xlane v1, v2;
	v3 =	vmul.f32 v3, v4;
	(pc) =	sbr.rel @p0 .LBB2_3-.Ltmp1, $3  }
0x43: {  	_ = 	snop  }
0x44: {  	v2 =	vadd.f32 v3, v2;
	_ =	sdelay $0x1  }
0x45: {  	s6 =	sadd.s32 $0x10, s6;
	s7 =	sadd.s32 $0x10, s7;
	[tilespmem:s5+$0x0] =	vst v2;
	s5 =	sadd.s32 $0x10, s5  }
0x46: {  	s2 =	sadd.s32 s3, s2  }
0x47: {  	s30 =	simm.s32 $0x0;
	s4 =	simm.s32 $0x3100;
	s31 =	simm.s32 $0x4  }
0x48: {  	[hbm4b:s2+s30] =	stream.linear.scatter [tilespmem:s4], [sflag:$0x4], $0x1870, $0x38;
	[tilespmem:$0x4A80] =	vst v63  }
0x49: {  	_ =	swait.ge [sflag:s31], $0x1870  }
0x4a: {  	[sflag:s31] =	ssyncset.done $0x0  }
0x4b: {  	[sflag:s31] =	ssyncadd.s32 $0xFFFFE790  }
0x4c: {  	_ =	sfence.sel $0x180000  }
0x4d: {  	[bflag:$0x0] =	sbarrier.arrive $0xFFFF  }
0x4e: {  	p0 =	sne.s32 s0, $0x0;
	_ =	strace $0x90000047  }
0x4f: {  	s0 =	sadd.s32 @!p0 $0x100000, s1;
	[bflag:$0x2] =	sbarrier.arrive $0xFFFF  }
0x50: {  	[sflag:s0] =	ssyncadd.tile.s32 @!p0 $0x1;
	_ =	shalt  }
.Lfunc_end2:
_tile_overlayer_lowered:
.L_overlay_start_2:
0x51: {  	(tag) =	ssettag $0x2  }
0x52: {  	s0 =	rddreg [dreg:$0x0];
	s2 =	stileid.u32  }
0x53: {  	s1 =	rddreg [dreg:$0x1];
	p0 =	sne.s32 s2, $0x0  }
0x54: {  	s3 =	rddreg [dreg:$0x2];
	[bflag:$0x3] =	sbarrier.arrive $0xFFFF;
	s2 =	simm.s32 @!p0 $0x1C04  }
0x55: {  	[timem:s3], [sflag:s2] =	dma.local @!p0 [hbm:s0], s1  }
0x56: {  	s0 =	simm.s32 @!p0 $0x4  }
0x57: {  	_ =	swait.ge @!p0 [sflag:s0], s1  }
0x58: {  	s1 =	ssub.s32 @!p0 $0x0, s1;
	[sflag:s0] =	ssyncset.done @!p0 $0x0  }
0x59: {  	[sflag:s0] =	ssyncadd.s32 @!p0 s1  }
0x5a: {  	[bflag:$0x3] =	sbarrier.arrive $0xFFFF  }
0x5b: {  	_ =	shalt  }

</sc_bundles>
